<compile_context>
chip_gen: v7x
topology: tpu7x:2x2x1
jax: 0.10.2.dev20260603
libtpu: 0.0.44.dev20260713+nightly
codegen_flags: <defaults>
</compile_context>

<pallas_src>
import functools

import numpy as np
import jax
import jax.numpy as jnp
from jax import lax
from jax.experimental import pallas as pl
from jax.experimental.pallas import tpu as pltpu
from jax.experimental.pallas import tpu_sc as plsc

VOCAB = 100000
EMBED = 128
MAXLEN = 512
B = 1024
L = 200

NUM_WORKERS = 32
ROWS_PER_W = B * L // NUM_WORKERS
CHUNK = 128
N_CHUNKS = ROWS_PER_W // CHUNK
LANES = 16
GROUPS = EMBED // LANES
NBUF = 4
LOOK = 2
OUTER = (N_CHUNKS - 2) // NBUF


def _make_pe():
    pe = np.zeros((MAXLEN, EMBED), dtype=np.float32)
    position = np.arange(0, MAXLEN)[:, np.newaxis]
    div_term = np.exp(np.arange(0, EMBED, 2) * -(np.log(10000.0) / EMBED))
    pe[:, 0::2] = np.sin(position * div_term)
    pe[:, 1::2] = np.cos(position * div_term)
    return jnp.asarray(pe[:L, :])


_MESH = plsc.VectorSubcoreMesh(core_axis_name="c", subcore_axis_name="s")


@functools.partial(
    pl.kernel,
    mesh=_MESH,
    out_type=jax.ShapeDtypeStruct((B * L, EMBED), jnp.float32),
    scratch_types=(
        [pltpu.VMEM((ROWS_PER_W,), jnp.int32)]
        + [pltpu.VMEM((CHUNK, EMBED), jnp.float32) for _ in range(NBUF)]
        + [pltpu.VMEM((L, EMBED), jnp.float32)]
        + [pltpu.SemaphoreType.DMA for _ in range(2 * NBUF)]
    ),
)
def _emb_lookup(x_hbm, w_hbm, pe_hbm, out_hbm, idx_v, r0, r1, r2, r3, pe_v,
                *sems):
    rows_v = (r0, r1, r2, r3)
    sem_in = sems[0:NBUF]
    sem_out = sems[NBUF:2 * NBUF]

    wid = lax.axis_index("s") * 2 + lax.axis_index("c")
    base = wid * ROWS_PER_W

    def gather(c, b):
        return pltpu.make_async_copy(
            w_hbm.at[idx_v.at[pl.ds(c * CHUNK, CHUNK)]], rows_v[b], sem_in[b])

    def writeback(c, b):
        return pltpu.make_async_copy(
            rows_v[b], out_hbm.at[pl.ds(base + c * CHUNK, CHUNK)], sem_out[b])

    pltpu.sync_copy(x_hbm.at[pl.ds(base, ROWS_PER_W)], idx_v)
    pltpu.sync_copy(pe_hbm, pe_v)

    def add_pe(b, c):
        pass

    writeback(0, 0).start()
    writeback(1, 1).start()
    writeback(2, 2).start()
    writeback(3, 3).start()

    def outer_body(i, carry):
        for k in range(NBUF):
            c = NBUF * i + 2 + k
            b = (2 + k) % NBUF
            b2 = (4 + k) % NBUF
            writeback(c - 2, b2).wait()
            if k >= 2:
                @pl.when(i < OUTER - 1)
                def _():
                    writeback(c + 2, b2).start()
            else:
                writeback(c + 2, b2).start()
        return carry

    lax.fori_loop(0, OUTER, outer_body, 0)

    writeback(N_CHUNKS - 2, (N_CHUNKS - 2) % NBUF).wait()
    writeback(N_CHUNKS - 1, (N_CHUNKS - 1) % NBUF).wait()


def kernel(x, W):
    pe = _make_pe()
    out = _emb_lookup(x.reshape(-1), W, pe)
    return out.reshape(B, L, EMBED)

# --- scband reference (transcript-rebuilt; emitter-appended) ---
"""Pipeline reference for scband-embedding-fixed-9208409883126 (READ-ONLY COPY).

The authoritative reference and input builder live on the scoring server;
editing this copy changes nothing except your own understanding.
"""

import jax, jax.numpy as jnp
import numpy as np

VOCAB = 100000
EMBED = 128
MAXLEN = 512
B = 1024
L = 200


def make_pe():
    pe = np.zeros((MAXLEN, EMBED), dtype=np.float32)
    position = np.arange(0, MAXLEN)[:, np.newaxis]
    div_term = np.exp(np.arange(0, EMBED, 2) * -(np.log(10000.0) / EMBED))
    pe[:, 0::2] = np.sin(position * div_term)
    pe[:, 1::2] = np.cos(position * div_term)
    return jnp.asarray(pe[np.newaxis, :, :])


def setup_inputs(seed: int = 0) -> dict:
    key = jax.random.key(seed)
    k1, k2 = jax.random.split(key)
    x = jax.random.randint(k1, (B, L), 0, VOCAB, dtype=jnp.int32)
    # learned word-embedding table (flax nn.Embed param), small-variance init
    W = jax.random.normal(k2, (VOCAB, EMBED), dtype=jnp.float32) * 0.02
    return {"x": x, "W": W}


def reference(x, W):
    pe = make_pe()
    word_embedding = jnp.take(W, x, axis=0)
    positional_embedding = pe[:, 0 : x.shape[1], :]
    return word_embedding + positional_embedding

if __name__ == "__main__":
    import jax
    _d = setup_inputs()
    print(jax.jit(kernel)(*tuple(_d.values())))

</pallas_src>

<mosaic_0001>
#map = affine_map<(d0, d1) -> (0)>
#map1 = affine_map<(d0, d1) -> (0, 0)>
module attributes {stable_mosaic.version = 14 : i64} {
  func.func @_emb_lookup(%arg0: i32, %arg1: i32, %arg2: memref<204800xi32, #tpu.memory_space<hbm>>, %arg3: memref<100000x128xf32, #tpu.memory_space<hbm>>, %arg4: memref<200x128xf32, #tpu.memory_space<hbm>>, %arg5: memref<204800x128xf32, #tpu.memory_space<hbm>>, %arg6: memref<6400xi32, #tpu.memory_space<vmem>>, %arg7: memref<128x128xf32, #tpu.memory_space<vmem>>, %arg8: memref<128x128xf32, #tpu.memory_space<vmem>>, %arg9: memref<128x128xf32, #tpu.memory_space<vmem>>, %arg10: memref<128x128xf32, #tpu.memory_space<vmem>>, %arg11: memref<200x128xf32, #tpu.memory_space<vmem>>, %arg12: memref<!tpu.dma_semaphore, #tpu.memory_space<semaphore_mem>>, %arg13: memref<!tpu.dma_semaphore, #tpu.memory_space<semaphore_mem>>, %arg14: memref<!tpu.dma_semaphore, #tpu.memory_space<semaphore_mem>>, %arg15: memref<!tpu.dma_semaphore, #tpu.memory_space<semaphore_mem>>, %arg16: memref<!tpu.dma_semaphore, #tpu.memory_space<semaphore_mem>>, %arg17: memref<!tpu.dma_semaphore, #tpu.memory_space<semaphore_mem>>, %arg18: memref<!tpu.dma_semaphore, #tpu.memory_space<semaphore_mem>>, %arg19: memref<!tpu.dma_semaphore, #tpu.memory_space<semaphore_mem>>) attributes {dimension_semantics = [#tpu.dimension_semantics<core_parallel>, #tpu.dimension_semantics<subcore_parallel>], iteration_bounds = array<i64: 2, 16>, scalar_prefetch = 0 : i64, scratch_operands = 14 : i64, tpu.core_type = #tpu.core_type<sc_vector_subcore>, window_params = [{transform_indices = #map}, {transform_indices = #map1}, {transform_indices = #map1}, {transform_indices = #map1}]} {
    %mul3A = arith.constant 2 : i32
    %mul3A_0 = arith.muli %arg1, %mul3A : i32
    %add3A = arith.addi %mul3A_0, %arg0 : i32
    %mul3A_1 = arith.constant 6400 : i32
    %mul3A_2 = arith.muli %add3A, %mul3A_1 : i32
    "tpu.region"() ({
      %run_scoped3A = tpu.sem_alloc : memref<!tpu.dma_semaphore, #tpu.memory_space<semaphore_mem>>
      %dma_start3A_42 = tpu.memref_slice %arg2[%mul3A_2] : memref<204800xi32, #tpu.memory_space<hbm>> -> memref<6400xi32, #tpu.memory_space<hbm>>
      %dma_start3A_43 = tpu.memref_slice %arg2[%mul3A_2] : memref<204800xi32, #tpu.memory_space<hbm>> -> memref<6400xi32, #tpu.memory_space<hbm>>
      tpu.enqueue_dma source(%dma_start3A_43 : memref<6400xi32, #tpu.memory_space<hbm>>) target(%arg6 : memref<6400xi32, #tpu.memory_space<vmem>>) target_semaphore(%run_scoped3A : memref<!tpu.dma_semaphore, #tpu.memory_space<semaphore_mem>>)
      %dma_wait3A_44 = tpu.memref_slice %arg2[%mul3A_2] : memref<204800xi32, #tpu.memory_space<hbm>> -> memref<6400xi32, #tpu.memory_space<hbm>>
      %dma_wait3A_45 = tpu.memref_slice %arg2[%mul3A_2] : memref<204800xi32, #tpu.memory_space<hbm>> -> memref<6400xi32, #tpu.memory_space<hbm>>
      tpu.wait_dma2 semaphore(%run_scoped3A : memref<!tpu.dma_semaphore, #tpu.memory_space<semaphore_mem>>) src(%dma_wait3A_45 : memref<6400xi32, #tpu.memory_space<hbm>>) dst(%arg6 : memref<6400xi32, #tpu.memory_space<vmem>>)
      tpu.yield
    }) : () -> ()
    "tpu.region"() ({
      %run_scoped3A = tpu.sem_alloc : memref<!tpu.dma_semaphore, #tpu.memory_space<semaphore_mem>>
      tpu.enqueue_dma source(%arg4 : memref<200x128xf32, #tpu.memory_space<hbm>>) target(%arg11 : memref<200x128xf32, #tpu.memory_space<vmem>>) target_semaphore(%run_scoped3A : memref<!tpu.dma_semaphore, #tpu.memory_space<semaphore_mem>>)
      tpu.wait_dma2 semaphore(%run_scoped3A : memref<!tpu.dma_semaphore, #tpu.memory_space<semaphore_mem>>) src(%arg4 : memref<200x128xf32, #tpu.memory_space<hbm>>) dst(%arg11 : memref<200x128xf32, #tpu.memory_space<vmem>>)
      tpu.yield
    }) : () -> ()
    %add3A_3 = arith.constant 0 : i32
    %add3A_4 = arith.addi %mul3A_2, %add3A_3 : i32
    %dma_start3A = arith.constant 0 : i32
    %dma_start3A_5 = tpu.memref_slice %arg5[%add3A_4, %dma_start3A] : memref<204800x128xf32, #tpu.memory_space<hbm>> -> memref<128x128xf32, #tpu.memory_space<hbm>>
    %dma_start3A_6 = arith.constant 0 : i32
    %dma_start3A_7 = tpu.memref_slice %arg5[%add3A_4, %dma_start3A_6] : memref<204800x128xf32, #tpu.memory_space<hbm>> -> memref<128x128xf32, #tpu.memory_space<hbm>>
    tpu.enqueue_dma source(%arg7 : memref<128x128xf32, #tpu.memory_space<vmem>>) target(%dma_start3A_7 : memref<128x128xf32, #tpu.memory_space<hbm>>) target_semaphore(%arg16 : memref<!tpu.dma_semaphore, #tpu.memory_space<semaphore_mem>>)
    %add3A_8 = arith.constant 128 : i32
    %add3A_9 = arith.addi %mul3A_2, %add3A_8 : i32
    %dma_start3A_10 = arith.constant 0 : i32
    %dma_start3A_11 = tpu.memref_slice %arg5[%add3A_9, %dma_start3A_10] : memref<204800x128xf32, #tpu.memory_space<hbm>> -> memref<128x128xf32, #tpu.memory_space<hbm>>
    %dma_start3A_12 = arith.constant 0 : i32
    %dma_start3A_13 = tpu.memref_slice %arg5[%add3A_9, %dma_start3A_12] : memref<204800x128xf32, #tpu.memory_space<hbm>> -> memref<128x128xf32, #tpu.memory_space<hbm>>
    tpu.enqueue_dma source(%arg8 : memref<128x128xf32, #tpu.memory_space<vmem>>) target(%dma_start3A_13 : memref<128x128xf32, #tpu.memory_space<hbm>>) target_semaphore(%arg17 : memref<!tpu.dma_semaphore, #tpu.memory_space<semaphore_mem>>)
    %add3A_14 = arith.constant 256 : i32
    %add3A_15 = arith.addi %mul3A_2, %add3A_14 : i32
    %dma_start3A_16 = arith.constant 0 : i32
    %dma_start3A_17 = tpu.memref_slice %arg5[%add3A_15, %dma_start3A_16] : memref<204800x128xf32, #tpu.memory_space<hbm>> -> memref<128x128xf32, #tpu.memory_space<hbm>>
    %dma_start3A_18 = arith.constant 0 : i32
    %dma_start3A_19 = tpu.memref_slice %arg5[%add3A_15, %dma_start3A_18] : memref<204800x128xf32, #tpu.memory_space<hbm>> -> memref<128x128xf32, #tpu.memory_space<hbm>>
    tpu.enqueue_dma source(%arg9 : memref<128x128xf32, #tpu.memory_space<vmem>>) target(%dma_start3A_19 : memref<128x128xf32, #tpu.memory_space<hbm>>) target_semaphore(%arg18 : memref<!tpu.dma_semaphore, #tpu.memory_space<semaphore_mem>>)
    %add3A_20 = arith.constant 384 : i32
    %add3A_21 = arith.addi %mul3A_2, %add3A_20 : i32
    %dma_start3A_22 = arith.constant 0 : i32
    %dma_start3A_23 = tpu.memref_slice %arg5[%add3A_21, %dma_start3A_22] : memref<204800x128xf32, #tpu.memory_space<hbm>> -> memref<128x128xf32, #tpu.memory_space<hbm>>
    %dma_start3A_24 = arith.constant 0 : i32
    %dma_start3A_25 = tpu.memref_slice %arg5[%add3A_21, %dma_start3A_24] : memref<204800x128xf32, #tpu.memory_space<hbm>> -> memref<128x128xf32, #tpu.memory_space<hbm>>
    tpu.enqueue_dma source(%arg10 : memref<128x128xf32, #tpu.memory_space<vmem>>) target(%dma_start3A_25 : memref<128x128xf32, #tpu.memory_space<hbm>>) target_semaphore(%arg19 : memref<!tpu.dma_semaphore, #tpu.memory_space<semaphore_mem>>)
    %scan3A = arith.constant 0 : i32
    %scan3A_26 = arith.constant 0 : i32
    %scan3A_27 = arith.constant 12 : i32
    %scan3A_28 = arith.addi %scan3A_26, %scan3A_27 : i32
    %scan3A_29 = arith.constant 1 : i32
    scf.for %scan3A_42 = %scan3A_26 to %scan3A_28 step %scan3A_29  : i32 {
      %mul3A_43 = arith.constant 4 : i32
      %mul3A_44 = arith.muli %mul3A_43, %scan3A_42 : i32
      %add3A_45 = arith.constant 2 : i32
      %add3A_46 = arith.addi %mul3A_44, %add3A_45 : i32
      %add3A_47 = arith.constant 0 : i32
      %add3A_48 = arith.addi %add3A_46, %add3A_47 : i32
      %sub3A = arith.constant 2 : i32
      %sub3A_49 = arith.subi %add3A_48, %sub3A : i32
      %mul3A_50 = arith.constant 128 : i32
      %mul3A_51 = arith.muli %sub3A_49, %mul3A_50 : i32
      %add3A_52 = arith.addi %mul3A_2, %mul3A_51 : i32
      %dma_wait3A_53 = arith.constant 0 : i32
      %dma_wait3A_54 = tpu.memref_slice %arg5[%add3A_52, %dma_wait3A_53] : memref<204800x128xf32, #tpu.memory_space<hbm>> -> memref<128x128xf32, #tpu.memory_space<hbm>>
      %dma_wait3A_55 = arith.constant 0 : i32
      %dma_wait3A_56 = tpu.memref_slice %arg5[%add3A_52, %dma_wait3A_55] : memref<204800x128xf32, #tpu.memory_space<hbm>> -> memref<128x128xf32, #tpu.memory_space<hbm>>
      tpu.wait_dma2 semaphore(%arg16 : memref<!tpu.dma_semaphore, #tpu.memory_space<semaphore_mem>>) src(%arg7 : memref<128x128xf32, #tpu.memory_space<vmem>>) dst(%dma_wait3A_56 : memref<128x128xf32, #tpu.memory_space<hbm>>)
      %add3A_57 = arith.constant 2 : i32
      %add3A_58 = arith.addi %add3A_48, %add3A_57 : i32
      %mul3A_59 = arith.constant 128 : i32
      %mul3A_60 = arith.muli %add3A_58, %mul3A_59 : i32
      %add3A_61 = arith.addi %mul3A_2, %mul3A_60 : i32
      %dma_start3A_62 = arith.constant 0 : i32
      %dma_start3A_63 = tpu.memref_slice %arg5[%add3A_61, %dma_start3A_62] : memref<204800x128xf32, #tpu.memory_space<hbm>> -> memref<128x128xf32, #tpu.memory_space<hbm>>
      %dma_start3A_64 = arith.constant 0 : i32
      %dma_start3A_65 = tpu.memref_slice %arg5[%add3A_61, %dma_start3A_64] : memref<204800x128xf32, #tpu.memory_space<hbm>> -> memref<128x128xf32, #tpu.memory_space<hbm>>
      tpu.enqueue_dma source(%arg7 : memref<128x128xf32, #tpu.memory_space<vmem>>) target(%dma_start3A_65 : memref<128x128xf32, #tpu.memory_space<hbm>>) target_semaphore(%arg16 : memref<!tpu.dma_semaphore, #tpu.memory_space<semaphore_mem>>)
      %mul3A_66 = arith.constant 4 : i32
      %mul3A_67 = arith.muli %mul3A_66, %scan3A_42 : i32
      %add3A_68 = arith.constant 2 : i32
      %add3A_69 = arith.addi %mul3A_67, %add3A_68 : i32
      %add3A_70 = arith.constant 1 : i32
      %add3A_71 = arith.addi %add3A_69, %add3A_70 : i32
      %sub3A_72 = arith.constant 2 : i32
      %sub3A_73 = arith.subi %add3A_71, %sub3A_72 : i32
      %mul3A_74 = arith.constant 128 : i32
      %mul3A_75 = arith.muli %sub3A_73, %mul3A_74 : i32
      %add3A_76 = arith.addi %mul3A_2, %mul3A_75 : i32
      %dma_wait3A_77 = arith.constant 0 : i32
      %dma_wait3A_78 = tpu.memref_slice %arg5[%add3A_76, %dma_wait3A_77] : memref<204800x128xf32, #tpu.memory_space<hbm>> -> memref<128x128xf32, #tpu.memory_space<hbm>>
      %dma_wait3A_79 = arith.constant 0 : i32
      %dma_wait3A_80 = tpu.memref_slice %arg5[%add3A_76, %dma_wait3A_79] : memref<204800x128xf32, #tpu.memory_space<hbm>> -> memref<128x128xf32, #tpu.memory_space<hbm>>
      tpu.wait_dma2 semaphore(%arg17 : memref<!tpu.dma_semaphore, #tpu.memory_space<semaphore_mem>>) src(%arg8 : memref<128x128xf32, #tpu.memory_space<vmem>>) dst(%dma_wait3A_80 : memref<128x128xf32, #tpu.memory_space<hbm>>)
      %add3A_81 = arith.constant 2 : i32
      %add3A_82 = arith.addi %add3A_71, %add3A_81 : i32
      %mul3A_83 = arith.constant 128 : i32
      %mul3A_84 = arith.muli %add3A_82, %mul3A_83 : i32
      %add3A_85 = arith.addi %mul3A_2, %mul3A_84 : i32
      %dma_start3A_86 = arith.constant 0 : i32
      %dma_start3A_87 = tpu.memref_slice %arg5[%add3A_85, %dma_start3A_86] : memref<204800x128xf32, #tpu.memory_space<hbm>> -> memref<128x128xf32, #tpu.memory_space<hbm>>
      %dma_start3A_88 = arith.constant 0 : i32
      %dma_start3A_89 = tpu.memref_slice %arg5[%add3A_85, %dma_start3A_88] : memref<204800x128xf32, #tpu.memory_space<hbm>> -> memref<128x128xf32, #tpu.memory_space<hbm>>
      tpu.enqueue_dma source(%arg8 : memref<128x128xf32, #tpu.memory_space<vmem>>) target(%dma_start3A_89 : memref<128x128xf32, #tpu.memory_space<hbm>>) target_semaphore(%arg17 : memref<!tpu.dma_semaphore, #tpu.memory_space<semaphore_mem>>)
      %mul3A_90 = arith.constant 4 : i32
      %mul3A_91 = arith.muli %mul3A_90, %scan3A_42 : i32
      %add3A_92 = arith.constant 2 : i32
      %add3A_93 = arith.addi %mul3A_91, %add3A_92 : i32
      %add3A_94 = arith.constant 2 : i32
      %add3A_95 = arith.addi %add3A_93, %add3A_94 : i32
      %sub3A_96 = arith.constant 2 : i32
      %sub3A_97 = arith.subi %add3A_95, %sub3A_96 : i32
      %mul3A_98 = arith.constant 128 : i32
      %mul3A_99 = arith.muli %sub3A_97, %mul3A_98 : i32
      %add3A_100 = arith.addi %mul3A_2, %mul3A_99 : i32
      %dma_wait3A_101 = arith.constant 0 : i32
      %dma_wait3A_102 = tpu.memref_slice %arg5[%add3A_100, %dma_wait3A_101] : memref<204800x128xf32, #tpu.memory_space<hbm>> -> memref<128x128xf32, #tpu.memory_space<hbm>>
      %dma_wait3A_103 = arith.constant 0 : i32
      %dma_wait3A_104 = tpu.memref_slice %arg5[%add3A_100, %dma_wait3A_103] : memref<204800x128xf32, #tpu.memory_space<hbm>> -> memref<128x128xf32, #tpu.memory_space<hbm>>
      tpu.wait_dma2 semaphore(%arg18 : memref<!tpu.dma_semaphore, #tpu.memory_space<semaphore_mem>>) src(%arg9 : memref<128x128xf32, #tpu.memory_space<vmem>>) dst(%dma_wait3A_104 : memref<128x128xf32, #tpu.memory_space<hbm>>)
      %lt3A = arith.constant 11 : i32
      %lt3A_105 = arith.cmpi slt, %scan3A_42, %lt3A : i32
      %convert_element_type3A = arith.extui %lt3A_105 : i1 to i32
      %cond3A = arith.constant 0 : i32
      %cond3A_106 = arith.cmpi ne, %convert_element_type3A, %cond3A : i32
      scf.if %cond3A_106 {
        %add3A_127 = arith.constant 2 : i32
        %add3A_128 = arith.addi %add3A_95, %add3A_127 : i32
        %mul3A_129 = arith.constant 128 : i32
        %mul3A_130 = arith.muli %add3A_128, %mul3A_129 : i32
        %add3A_131 = arith.addi %mul3A_2, %mul3A_130 : i32
        %dma_start3A_132 = arith.constant 0 : i32
        %dma_start3A_133 = tpu.memref_slice %arg5[%add3A_131, %dma_start3A_132] : memref<204800x128xf32, #tpu.memory_space<hbm>> -> memref<128x128xf32, #tpu.memory_space<hbm>>
        %dma_start3A_134 = arith.constant 0 : i32
        %dma_start3A_135 = tpu.memref_slice %arg5[%add3A_131, %dma_start3A_134] : memref<204800x128xf32, #tpu.memory_space<hbm>> -> memref<128x128xf32, #tpu.memory_space<hbm>>
        tpu.enqueue_dma source(%arg9 : memref<128x128xf32, #tpu.memory_space<vmem>>) target(%dma_start3A_135 : memref<128x128xf32, #tpu.memory_space<hbm>>) target_semaphore(%arg18 : memref<!tpu.dma_semaphore, #tpu.memory_space<semaphore_mem>>)
      } else {
      }
      %mul3A_107 = arith.constant 4 : i32
      %mul3A_108 = arith.muli %mul3A_107, %scan3A_42 : i32
      %add3A_109 = arith.constant 2 : i32
      %add3A_110 = arith.addi %mul3A_108, %add3A_109 : i32
      %add3A_111 = arith.constant 3 : i32
      %add3A_112 = arith.addi %add3A_110, %add3A_111 : i32
      %sub3A_113 = arith.constant 2 : i32
      %sub3A_114 = arith.subi %add3A_112, %sub3A_113 : i32
      %mul3A_115 = arith.constant 128 : i32
      %mul3A_116 = arith.muli %sub3A_114, %mul3A_115 : i32
      %add3A_117 = arith.addi %mul3A_2, %mul3A_116 : i32
      %dma_wait3A_118 = arith.constant 0 : i32
      %dma_wait3A_119 = tpu.memref_slice %arg5[%add3A_117, %dma_wait3A_118] : memref<204800x128xf32, #tpu.memory_space<hbm>> -> memref<128x128xf32, #tpu.memory_space<hbm>>
      %dma_wait3A_120 = arith.constant 0 : i32
      %dma_wait3A_121 = tpu.memref_slice %arg5[%add3A_117, %dma_wait3A_120] : memref<204800x128xf32, #tpu.memory_space<hbm>> -> memref<128x128xf32, #tpu.memory_space<hbm>>
      tpu.wait_dma2 semaphore(%arg19 : memref<!tpu.dma_semaphore, #tpu.memory_space<semaphore_mem>>) src(%arg10 : memref<128x128xf32, #tpu.memory_space<vmem>>) dst(%dma_wait3A_121 : memref<128x128xf32, #tpu.memory_space<hbm>>)
      %lt3A_122 = arith.constant 11 : i32
      %lt3A_123 = arith.cmpi slt, %scan3A_42, %lt3A_122 : i32
      %convert_element_type3A_124 = arith.extui %lt3A_123 : i1 to i32
      %cond3A_125 = arith.constant 0 : i32
      %cond3A_126 = arith.cmpi ne, %convert_element_type3A_124, %cond3A_125 : i32
      scf.if %cond3A_126 {
        %add3A_127 = arith.constant 2 : i32
        %add3A_128 = arith.addi %add3A_112, %add3A_127 : i32
        %mul3A_129 = arith.constant 128 : i32
        %mul3A_130 = arith.muli %add3A_128, %mul3A_129 : i32
        %add3A_131 = arith.addi %mul3A_2, %mul3A_130 : i32
        %dma_start3A_132 = arith.constant 0 : i32
        %dma_start3A_133 = tpu.memref_slice %arg5[%add3A_131, %dma_start3A_132] : memref<204800x128xf32, #tpu.memory_space<hbm>> -> memref<128x128xf32, #tpu.memory_space<hbm>>
        %dma_start3A_134 = arith.constant 0 : i32
        %dma_start3A_135 = tpu.memref_slice %arg5[%add3A_131, %dma_start3A_134] : memref<204800x128xf32, #tpu.memory_space<hbm>> -> memref<128x128xf32, #tpu.memory_space<hbm>>
        tpu.enqueue_dma source(%arg10 : memref<128x128xf32, #tpu.memory_space<vmem>>) target(%dma_start3A_135 : memref<128x128xf32, #tpu.memory_space<hbm>>) target_semaphore(%arg19 : memref<!tpu.dma_semaphore, #tpu.memory_space<semaphore_mem>>)
      } else {
      }
    }
    %scan3A_30 = arith.constant 12 : i32
    %add3A_31 = arith.constant 6144 : i32
    %add3A_32 = arith.addi %mul3A_2, %add3A_31 : i32
    %dma_wait3A = arith.constant 0 : i32
    %dma_wait3A_33 = tpu.memref_slice %arg5[%add3A_32, %dma_wait3A] : memref<204800x128xf32, #tpu.memory_space<hbm>> -> memref<128x128xf32, #tpu.memory_space<hbm>>
    %dma_wait3A_34 = arith.constant 0 : i32
    %dma_wait3A_35 = tpu.memref_slice %arg5[%add3A_32, %dma_wait3A_34] : memref<204800x128xf32, #tpu.memory_space<hbm>> -> memref<128x128xf32, #tpu.memory_space<hbm>>
    tpu.wait_dma2 semaphore(%arg16 : memref<!tpu.dma_semaphore, #tpu.memory_space<semaphore_mem>>) src(%arg7 : memref<128x128xf32, #tpu.memory_space<vmem>>) dst(%dma_wait3A_35 : memref<128x128xf32, #tpu.memory_space<hbm>>)
    %add3A_36 = arith.constant 6272 : i32
    %add3A_37 = arith.addi %mul3A_2, %add3A_36 : i32
    %dma_wait3A_38 = arith.constant 0 : i32
    %dma_wait3A_39 = tpu.memref_slice %arg5[%add3A_37, %dma_wait3A_38] : memref<204800x128xf32, #tpu.memory_space<hbm>> -> memref<128x128xf32, #tpu.memory_space<hbm>>
    %dma_wait3A_40 = arith.constant 0 : i32
    %dma_wait3A_41 = tpu.memref_slice %arg5[%add3A_37, %dma_wait3A_40] : memref<204800x128xf32, #tpu.memory_space<hbm>> -> memref<128x128xf32, #tpu.memory_space<hbm>>
    tpu.wait_dma2 semaphore(%arg17 : memref<!tpu.dma_semaphore, #tpu.memory_space<semaphore_mem>>) src(%arg8 : memref<128x128xf32, #tpu.memory_space<vmem>>) dst(%dma_wait3A_41 : memref<128x128xf32, #tpu.memory_space<hbm>>)
    return
  }
}

</mosaic_0001>

<sc_bundles>
// kernel: kernel.3.cloned.1.call-start
scs
__scs_entry_jumppad:
0x0: {  	(pc) =	sbr.rel $0x88, $3  }
0x1: {  	(tag) =	ssettag $0x0;
	lr =	simm.s32 $0x1  }
0x2: {  	[smem:$0x3F9F] =	sst lr;
	_ =	strace $0xD0000000  }
0x3: {  	_ = 	snop  }
0x4: {  	_ = 	snop  }
0x5: {  	_ = 	snop  }
0x6: {  	_ = 	snop  }
0x7: {  	_ = 	snop  }
__scs_overlays_trampoline_lowered:
0x8: {  	[smem:$0x3FAE] =	sst s0  }
0x9: {  	[smem:$0x3FAF] =	sst s1  }
0xa: {  	[smem:$0x3FB0] =	sst s2  }
0xb: {  	[smem:$0x3FB1] =	sst s3  }
0xc: {  	[smem:$0x3FB2] =	sst s4  }
0xd: {  	[smem:$0x3FB3] =	sst s5  }
0xe: {  	[smem:$0x3FB4] =	sst s6  }
0xf: {  	[smem:$0x3FB5] =	sst s7  }
0x10: {  	[smem:$0x3FB6] =	sst s8  }
0x11: {  	[smem:$0x3FB7] =	sst s9;
	s0 =	simm.s32 @!p0 $0x0  }
0x12: {  	s1 =	sld [smem:$0x3F9D];
	s0 =	simm.s32 @p0 $0x1  }
0x13: {  	[smem:$0x3FB8] =	sst s0;
	s0 =	simm.s32 @!p1 $0x0  }
0x14: {  	s2 =	sld [smem:$0x3F9C];
	s0 =	simm.s32 @p1 $0x1  }
0x15: {  	[smem:$0x3FB9] =	sst s0;
	s0 =	simm.s32 @!p2 $0x0  }
0x16: {  	s3 =	sld [smem:$0x3FDB];
	s0 =	simm.s32 @p2 $0x1  }
0x17: {  	s4 =	simm.s32 $0x1BF5;
	[smem:$0x3FBB] =	sst s0  }
0x18: {  	s0 =	sld [smem:$0x3F9E];
	_ =	swait.ge [sflag:s4], $0x0  }
0x19: {  	s7 =	sld [smem:$0x3F9F]  }
0x1a: {  	s8 =	sadd.s32 $0xFFFFE003, lr  }
0x1b: {  	s9 =	sadd.s32 $0xFFFFFEF7, lr;
	s5 =	simm.s32 $0xFFFFFFFF;
	p2 =	slt.u32 s8, $0xFFFFF086  }
0x1c: {  	p1 =	slt.u32 s9, $0xF7A;
	s5 =	simm.s32 @!p2 $0x0  }
0x1d: {  	s5 =	simm.s32 @p1 $0x1;
	p0 =	seq.s32 s7, s2  }
0x1e: {  	s7 =	smul.u32 @!p0 $0xF7A, s2;
	p2 =	seq.s32 @!p0 s5, $0x0  }
0x1f: {  	s9 =	smul.u32 $0xF7A, s1;
	s8 =	simm.s32 @!p0 $0x1BF5;
	p2 =	por !p2, p0  }
0x20: {  	[sflag:s8] =	ssyncset.s32 @!p0 $0xFFFFF086;
	s6 =	sadd.s32 @!p0 s3, s7;
	s7 =	simm.s32 @!p0 $0x108  }
0x21: {  	s3 =	sadd.s32 s3, s9;
	s6 =	sadd.s32 @!p0 $0x88, s6;
	s7 =	simm.s32 @p2 $0x1082  }
0x22: {  	[simem:s7], [sflag:s8] =	dma.local @!p0 [hbm:s6], $0xF7A  }
0x23: {  	s9 =	sor.u32 $0xD0000000, s2;
	s6 =	simm.s32 $0x108;
	_ =	swait.ge @!p0 [sflag:s8], $0x0  }
0x24: {  	s3 =	sadd.s32 $0x88, s3;
	s6 =	simm.s32 @!p1 $0x1082;
	[sflag:s4] =	ssyncset.s32 $0xFFFFF086  }
0x25: {  	[simem:s6], [sflag:s4] =	dma.local [hbm:s3], $0xF7A  }
0x26: {  	[smem:$0x3F9F] =	sst s1;
	(tag) =	ssettag s2;
	_ =	strace s9  }
0x27: {  	s1 =	sld [smem:$0x3FAF]  }
0x28: {  	s2 =	sld [smem:$0x3FB0]  }
0x29: {  	s4 =	sld [smem:$0x3FB2]  }
0x2a: {  	p0 =	seq.s32 s5, $0x0;
	s5 =	sld [smem:$0x3FB3]  }
0x2b: {  	s6 =	sld [smem:$0x3FB4]  }
0x2c: {  	s7 =	sld [smem:$0x3FB5]  }
0x2d: {  	s3 =	simm.s32 $0x108;
	s8 =	sld [smem:$0x3FB6]  }
0x2e: {  	s3 =	simm.s32 @!p0 $0x1082;
	s9 =	sld [smem:$0x3FB7]  }
0x2f: {  	lr =	sadd.s32 s0, s3;
	s0 =	sld [smem:$0x3FAE]  }
0x30: {  	s3 =	sld [smem:$0x3FB1]  }
0x31: {  	[smem:$0x3FBA] =	sst s10  }
0x32: {  	s10 =	sld [smem:$0x3FB8];
	_ =	sdelay $0x3  }
0x33: {  	p0 =	seq.s32 s10, $0x1;
	s10 =	sld [smem:$0x3FBA];
	_ =	sdelay $0x3  }
0x34: {  	[smem:$0x3FBA] =	sst s10  }
0x35: {  	s10 =	sld [smem:$0x3FB9];
	_ =	sdelay $0x3  }
0x36: {  	p1 =	seq.s32 s10, $0x1;
	s10 =	sld [smem:$0x3FBA];
	_ =	sdelay $0x3  }
0x37: {  	[smem:$0x3FBA] =	sst s10  }
0x38: {  	s10 =	sld [smem:$0x3FBB]  }
0x39: {  	_ = 	snop;
	(pc) =	sbr.ind lr, $3  }
0x3a: {  	_ = 	snop  }
0x3b: {  	_ = 	snop  }
0x3c: {  	p2 =	seq.s32 s10, $0x1;
	s10 =	sld [smem:$0x3FBA]  }
0x3d: {  	_ =	shalt  }
0x3e: {  	_ =	shalt  }
0x3f: {  	_ =	shalt  }
0x40: {  	_ =	shalt  }
0x41: {  	_ =	shalt  }
0x42: {  	_ =	shalt  }
0x43: {  	_ =	shalt  }
0x44: {  	_ =	shalt  }
0x45: {  	_ =	shalt  }
0x46: {  	_ =	shalt  }
0x47: {  	_ =	shalt  }
0x48: {  	_ =	shalt  }
0x49: {  	_ =	shalt  }
0x4a: {  	_ =	shalt  }
0x4b: {  	_ =	shalt  }
0x4c: {  	_ =	shalt  }
0x4d: {  	_ =	shalt  }
0x4e: {  	_ =	shalt  }
0x4f: {  	_ =	shalt  }
0x50: {  	_ =	shalt  }
0x51: {  	_ =	shalt  }
0x52: {  	_ =	shalt  }
0x53: {  	_ =	shalt  }
0x54: {  	_ =	shalt  }
0x55: {  	_ =	shalt  }
0x56: {  	_ =	shalt  }
0x57: {  	_ =	shalt  }
0x58: {  	_ =	shalt  }
0x59: {  	_ =	shalt  }
0x5a: {  	_ =	shalt  }
0x5b: {  	_ =	shalt  }
0x5c: {  	_ =	shalt  }
0x5d: {  	_ =	shalt  }
0x5e: {  	_ =	shalt  }
0x5f: {  	_ =	shalt  }
0x60: {  	_ =	shalt  }
0x61: {  	_ =	shalt  }
0x62: {  	_ =	shalt  }
0x63: {  	_ =	shalt  }
0x64: {  	_ =	shalt  }
0x65: {  	_ =	shalt  }
0x66: {  	_ =	shalt  }
0x67: {  	_ =	shalt  }
0x68: {  	_ =	shalt  }
0x69: {  	_ =	shalt  }
0x6a: {  	_ =	shalt  }
0x6b: {  	_ =	shalt  }
0x6c: {  	_ =	shalt  }
0x6d: {  	_ =	shalt  }
0x6e: {  	_ =	shalt  }
0x6f: {  	_ =	shalt  }
0x70: {  	_ =	shalt  }
0x71: {  	_ =	shalt  }
0x72: {  	_ =	shalt  }
0x73: {  	_ =	shalt  }
0x74: {  	_ =	shalt  }
0x75: {  	_ =	shalt  }
0x76: {  	_ =	shalt  }
0x77: {  	_ =	shalt  }
0x78: {  	_ =	shalt  }
0x79: {  	_ =	shalt  }
0x7a: {  	_ =	shalt  }
0x7b: {  	_ =	shalt  }
0x7c: {  	_ =	shalt  }
0x7d: {  	_ =	shalt  }
0x7e: {  	_ =	shalt  }
0x7f: {  	_ =	shalt  }
0x80: {  	_ =	shalt  }
0x81: {  	_ =	shalt  }
0x82: {  	_ =	shalt  }
0x83: {  	_ =	shalt  }
0x84: {  	_ =	shalt  }
0x85: {  	_ =	shalt  }
0x86: {  	_ =	shalt  }
0x87: {  	_ =	shalt  }
.Lfunc_end0:
.L_simem_size_0:
called_computation_lowered:
.L_overlay_start_0:
0x88: {  	s2 =	sld [smem:$0x3FD9]  }
0x89: {  	s3 =	sld [smem:$0x3FFE];
	_ =	sdelay $0x1  }
0x8a: {  	s1 =	srdreg.scid  }
0x8b: {  	s0 =	sand.u32 $0x1, s1  }
0x8c: {  	s17 =	sshll.u32 s0, $0xA;
	s2 =	sadd.s32 s3, s2  }
0x8d: {  	s2 =	sadd.s32 s2, s17  }
0x8e: {  	[smem:$0x3FC6] =	sst s2  }
0x8f: {  	_ = 	snop  }
0x90: {  	s2 =	sld [smem:$0x3FD0];
	(tm) =	ssettm $0x1  }
0x91: {  	s18 =	sld [smem:$0x3FFB];
	_ =	sdelay $0x3  }
0x92: {  	_ =	strace s18  }
0x93: {  	s3 =	sld [smem:$0x3FFC];
	_ =	sdelay $0x3  }
0x94: {  	_ =	strace s3  }
0x95: {  	s3 =	sld [smem:$0x3FFD];
	_ =	sdelay $0x3  }
0x96: {  	_ =	strace s3  }
0x97: {  	_ =	strace $0x8FFFFFFF  }
0x98: {  	s19 =	sld [smem:$0x3FDB];
	_ =	sdelay $0x1  }
0x99: {  	s4 =	simm.s32 $_scs_section_size  }
0x9a: {  	s5 =	simm.s32 $_size__tile_overlayer_lowered;
	s6 =	simm.s32 $_tile_overlayer_lowered  }
0x9b: {  	s22 =	simm.s32 $0x1BFF;
	s21 =	sshll.u32 s6, $0x1;
	s3 =	sadd.s32 s4, s19  }
0x9c: {  	s7 =	simm.s32 $0x0;
	s20 =	sshll.u32 s5, $0x1;
	s5 =	sadd.s32 s21, s3  }
0x9d: {  	[timem:s7], [sflag:s22] =	dma.local [hbm:s5], s20  }
0x9e: {  	_ =	swait.ge [sflag:s22], s20  }
0x9f: {  	s4 =	ssub.s32 $0x0, s20;
	[sflag:s22] =	ssyncset.done $0x0  }
0xa0: {  	[sflag:s22] =	ssyncadd.s32 s4;
	_ =	sdelay $0x1  }
0xa1: {  	s23 =	simm.s32 $0x1B8B  }
0xa2: {  	_ =	swait.ge [sflag:s23], $0x1  }
0xa3: {  	[sflag:s23] =	ssyncset.done $0x0  }
0xa4: {  	s25 =	simm.s32 $0x1B8E;
	s24 =	sld [smem:$0x3FFE];
	[sflag:s23] =	ssyncadd.s32 $0xFFFFFFFF  }
0xa5: {  	s26 =	simm.s32 $execute0_lowered;
	[smem:$0x3FD2] =	sst s25  }
0xa6: {  	s5 =	sshll.u32 s26, $0x1;
	_ =	strace $0x80000046;
	[dreg:$0x1] =	wrdreg $0xFFFFFFFF  }
0xa7: {  	s28 =	simm.s32 $_size_execute0_lowered;
	s3 =	sadd.s32 s3, s5;
	[dreg:$0x0] =	wrdreg $0x0  }
0xa8: {  	s5 =	sshll.u32 s28, $0x1;
	[dreg:$0x2] =	wrdreg s3  }
0xa9: {  	[dreg:$0x3] =	wrdreg s5  }
0xaa: {  	[dreg:$0x4] =	wrdreg $0xC0  }
0xab: {  	_ =	task [dreg:s7], $0x5FFFF  }
0xac: {  	[dreg:$0x1] =	wrdreg $0xFFFFFFFF  }
0xad: {  	[dreg:$0x0] =	wrdreg $0x60  }
0xae: {  	[dreg:$0x2] =	wrdreg s24  }
0xaf: {  	[dreg:$0x3] =	wrdreg s2  }
0xb0: {  	[dreg:$0x4] =	wrdreg $0x9  }
0xb1: {  	_ =	task.clear_ibuf [dreg:s7], $0x5FFFF;
	_ =	strace $0x90000046  }
0xb2: {  	s29 =	simm.s32 $0x9;
	_ =	strace $0x80000048  }
0xb3: {  	_ =	swait.ge [sflag:s29], $0x1  }
0xb4: {  	[sflag:s29] =	ssyncadd.s32 $0xFFFFFFFF  }
0xb5: {  	_ =	strace $0x90000048  }
0xb6: {  	_ =	sfence  }
0xb7: {  	s30 =	sld [smem:$0x0];
	_ =	sdelay $0x2  }
0xb8: {  	s31 =	sshll.u32 s1, $0xD;
	s1 =	sshrl.u32 s1, $0x2  }
0xb9: {  	s3 =	sand.u32 $0x4000, s31;
	s1 =	sadd.s32 s1, s30  }
0xba: {  	s0 =	sor.u32 s3, s0;
	s1 =	sshll.u32 s1, $0x11  }
0xbb: {  	s0 =	sor.u32 s1, s0  }
0xbc: {  	s0 =	sadd.s32 $0x8F2B, s0  }
0xbd: {  	[sflag:s0] =	ssyncadd.remote.s32 $0x1  }
0xbe: {  	_ =	sfence.sel $0xFFFF  }
0xbf: {  	[dreg:$0x0] =	wrdreg $0xFFFFFFFF;
	(pc) =	sbr.abs _section_cstart, $3  }
0xc0: {  	[dreg:$0x1] =	wrdreg $0xFFFFFFFF  }
0xc1: {  	_ =	task.clear_ibuf [dreg:s7], $0x2FFFF;
	_ =	strace $0x9FFFFFFF  }
0xc2: {  	(tm) =	ssettm $0x7FFFFFFF  }
0xc3: {  	_ =	shalt  }
tec
execute0_lowered:
.L_overlay_start_1:
0x0: {  	(tag) =	ssettag $0x1  }
0x1: {  	s3 =	rddreg [dreg:$0x0]  }
0x2: {  	s1 =	srdreg.scid;
	s0 =	stileid.u32  }
0x3: {  	s12 =	rddreg [dreg:$0x1];
	s2 =	simm.s32 $0x0;
	s15 =	simm.s32 $0x1900  }
0x4: {  	s16 =	simm.s32 $0x5900;
	s17 =	simm.s32 $0x9900;
	s18 =	simm.s32 $0xD900  }
0x5: {  	s19 =	simm.s32 $0x1;
	s20 =	simm.s32 $0x2;
	s21 =	simm.s32 $0x3  }
0x6: {  	s10 =	sand.u32 $0x1, s1;
	s4 =	sshll.u32 s0, $0x1;
	s13 =	smul.u32 $0x32000, s0  }
0x7: {  	s22 =	simm.s32 $0x4;
	s4 =	sor.u32 s10, s4;
	s14 =	smul.u32 $0x19000, s10  }
0x8: {  	s23 =	simm.s32 $0x0;
	s1 =	rddreg [dreg:$0x2];
	s5 =	smul.u32 $0x1900, s4  }
0x9: {  	[smem:$0x7FF] =	sst s2;
	s6 =	ssub.s32 $0x2, s10;
	s7 =	smul.u32 $0xC8000, s4  }
0xa: {  	_ =	strace $0x80000047;
	s8 =	sshrl.u32 s6, $0x1;
	s9 =	smul.u32 $0x19000, s4  }
0xb: {  	s11 =	ssub.s32 s6, s8;
	s5 =	sshrl.u32 s5, $0x3;
	s30 =	sshrl.u32 s7, $0x3  }
0xc: {  	s5 =	sadd.s32 s5, s3;
	s3 =	sadd.s32 $0x6800, s3;
	s31 =	sadd.s32 s12, s30  }
0xd: {  	s4 =	sadd.s32 $0x400, s5;
	s5 =	sadd.s32 s12, s9;
	s7 =	sadd.s32 $0x1000, s31  }
0xe: {  	s8 =	sadd.s32 $0x1800, s31;
	s9 =	smax.u32 s11, $0x1;
	s12 =	sadd.s32 s13, s12  }
0xf: {  	s13 =	simm.s32 $0x5;
	s6 =	sadd.s32 $0x800, s5;
	s10 =	sadd.s32 $0x18000, s5  }
0x10: {  	s11 =	sadd.s32 $0x18800, s5;
	s12 =	sadd.s32 s14, s12;
	s14 =	simm.s32 $0x11900  }
.LBB2_1:
0x11: {  	[tilespmem:s2], [sflag:$0x5] =	stream.linear.gather [hbm4b:s4+s2], $0x1900, $0x38;
	[tilespmem:$0x17D00] =	vst v63  }
0x12: {  	_ =	swait.ge [sflag:s13], $0x1900  }
0x13: {  	[sflag:s13] =	ssyncset.done $0x0  }
0x14: {  	[sflag:s13] =	ssyncadd.s32 $0xFFFFE700  }
0x15: {  	[tilespmem:s14], [sflag:$0x5] =	stream.linear.gather [hbm4b:s3+s2], $0x6400, $0x38;
	[tilespmem:$0x17D00] =	vst v63  }
0x16: {  	_ =	swait.ge [sflag:s13], $0x6400  }
0x17: {  	[sflag:s13] =	ssyncset.done $0x0  }
0x18: {  	[sflag:s13] =	ssyncadd.s32 $0xFFFF9C00  }
0x19: {  	[hbm4b:s5+s2] =	stream.linear.scatter [tilespmem:s15], [sflag:$0x1], $0x4000, $0x38;
	[tilespmem:$0x17D00] =	vst v63  }
0x1a: {  	_ = 	snop  }
0x1b: {  	[hbm4b:s6+s2] =	stream.linear.scatter [tilespmem:s16], [sflag:$0x2], $0x4000, $0x38;
	[tilespmem:$0x17D00] =	vst v63  }
0x1c: {  	_ = 	snop  }
0x1d: {  	[hbm4b:s7+s2] =	stream.linear.scatter [tilespmem:s17], [sflag:$0x3], $0x4000, $0x38;
	[tilespmem:$0x17D00] =	vst v63  }
0x1e: {  	_ = 	snop  }
0x1f: {  	[hbm4b:s8+s2] =	stream.linear.scatter [tilespmem:s18], [sflag:$0x4], $0x4000, $0x38;
	[tilespmem:$0x17D00] =	vst v63  }
0x20: {  	_ =	swait.ge [sflag:s19], $0x4000  }
0x21: {  	s25 =	sadd.s32 $0x0, s12;
	[sflag:s19] =	ssyncset.done $0x0  }
0x22: {  	s24 =	sadd.s32 $0x2000, s25;
	[sflag:s19] =	ssyncadd.s32 $0xFFFFC000  }
0x23: {  	[hbm4b:s24+s2] =	stream.linear.scatter [tilespmem:s15], [sflag:$0x1], $0x4000, $0x38;
	[tilespmem:$0x17D00] =	vst v63  }
0x24: {  	_ =	swait.ge [sflag:s20], $0x4000  }
0x25: {  	[sflag:s20] =	ssyncset.done $0x0  }
0x26: {  	s30 =	sadd.s32 $0x2800, s25;
	[sflag:s20] =	ssyncadd.s32 $0xFFFFC000  }
0x27: {  	[hbm4b:s30+s2] =	stream.linear.scatter [tilespmem:s16], [sflag:$0x2], $0x4000, $0x38;
	[tilespmem:$0x17D00] =	vst v63  }
0x28: {  	_ =	swait.ge [sflag:s21], $0x4000  }
0x29: {  	[sflag:s21] =	ssyncset.done $0x0  }
0x2a: {  	s31 =	sadd.s32 $0x3000, s25;
	[sflag:s21] =	ssyncadd.s32 $0xFFFFC000  }
0x2b: {  	[hbm4b:s31+s2] =	stream.linear.scatter [tilespmem:s17], [sflag:$0x3], $0x4000, $0x38;
	[tilespmem:$0x17D00] =	vst v63  }
0x2c: {  	_ =	swait.ge [sflag:s22], $0x4000  }
0x2d: {  	[sflag:s22] =	ssyncset.done $0x0  }
0x2e: {  	s25 =	sadd.s32 $0x3800, s25;
	s24 =	simm.s32 $0x2000;
	[sflag:s22] =	ssyncadd.s32 $0xFFFFC000  }
.LBB2_2:
0x2f: {  	[hbm4b:s25+s2] =	stream.linear.scatter [tilespmem:s18], [sflag:$0x4], $0x4000, $0x38;
	[tilespmem:$0x17D00] =	vst v63  }
0x30: {  	s25 =	smov.u32 s24  }
0x31: {  	p0 =	sne.s32 s24, $0x14000;
	s24 =	sadd.s32 $0x2000, s24;
	_ =	swait.ge [sflag:s19], $0x4000  }
0x32: {  	s25 =	sadd.s32 s25, s12;
	[sflag:s19] =	ssyncset.done $0x0  }
0x33: {  	s26 =	sadd.s32 $0x2000, s25;
	[sflag:s19] =	ssyncadd.s32 $0xFFFFC000  }
0x34: {  	[hbm4b:s26+s2] =	stream.linear.scatter [tilespmem:s15], [sflag:$0x1], $0x4000, $0x38;
	[tilespmem:$0x17D00] =	vst v63  }
0x35: {  	_ =	swait.ge [sflag:s20], $0x4000  }
0x36: {  	[sflag:s20] =	ssyncset.done $0x0  }
0x37: {  	s26 =	sadd.s32 $0x2800, s25;
	[sflag:s20] =	ssyncadd.s32 $0xFFFFC000  }
0x38: {  	[hbm4b:s26+s2] =	stream.linear.scatter [tilespmem:s16], [sflag:$0x2], $0x4000, $0x38;
	[tilespmem:$0x17D00] =	vst v63  }
0x39: {  	_ =	swait.ge [sflag:s21], $0x4000  }
0x3a: {  	[sflag:s21] =	ssyncset.done $0x0  }
.Ltmp0:
0x3b: {  	s26 =	sadd.s32 $0x3000, s25;
	[sflag:s21] =	ssyncadd.s32 $0xFFFFC000;
	(pc) =	sbr.rel @p0 .LBB2_2-.Ltmp0, $4  }
0x3c: {  	[hbm4b:s26+s2] =	stream.linear.scatter [tilespmem:s17], [sflag:$0x3], $0x4000, $0x38;
	[tilespmem:$0x17D00] =	vst v63  }
0x3d: {  	_ =	swait.ge [sflag:s22], $0x4000  }
0x3e: {  	[sflag:s22] =	ssyncset.done $0x0  }
0x3f: {  	s25 =	sadd.s32 $0x3800, s25;
	[sflag:s22] =	ssyncadd.s32 $0xFFFFC000  }
0x40: {  	[hbm4b:s25+s2] =	stream.linear.scatter [tilespmem:s18], [sflag:$0x4], $0x4000, $0x38;
	[tilespmem:$0x17D00] =	vst v63  }
0x41: {  	_ =	swait.ge [sflag:s19], $0x4000  }
0x42: {  	[sflag:s19] =	ssyncset.done $0x0  }
0x43: {  	[sflag:s19] =	ssyncadd.s32 $0xFFFFC000  }
0x44: {  	[hbm4b:s10+s2] =	stream.linear.scatter [tilespmem:s15], [sflag:$0x1], $0x4000, $0x38;
	[tilespmem:$0x17D00] =	vst v63  }
0x45: {  	_ =	swait.ge [sflag:s20], $0x4000  }
0x46: {  	[sflag:s20] =	ssyncset.done $0x0  }
0x47: {  	[sflag:s20] =	ssyncadd.s32 $0xFFFFC000  }
0x48: {  	[hbm4b:s11+s2] =	stream.linear.scatter [tilespmem:s16], [sflag:$0x2], $0x4000, $0x38;
	[tilespmem:$0x17D00] =	vst v63  }
0x49: {  	_ =	swait.ge [sflag:s21], $0x4000  }
0x4a: {  	[sflag:s21] =	ssyncset.done $0x0  }
0x4b: {  	[sflag:s21] =	ssyncadd.s32 $0xFFFFC000  }
0x4c: {  	_ =	swait.ge [sflag:s22], $0x4000  }
0x4d: {  	[sflag:s22] =	ssyncset.done $0x0  }
0x4e: {  	s23 =	sadd.s32 $0x1, s23;
	[sflag:s22] =	ssyncadd.s32 $0xFFFFC000  }
0x4f: {  	p0 =	sne.s32 s23, s9;
	_ =	swait.ge [sflag:s19], $0x4000  }
.Ltmp1:
0x50: {  	[sflag:s19] =	ssyncset.done $0x0;
	(pc) =	sbr.rel @p0 .LBB2_1-.Ltmp1, $4  }
0x51: {  	[sflag:s19] =	ssyncadd.s32 $0xFFFFC000  }
0x52: {  	_ =	swait.ge [sflag:s20], $0x4000  }
0x53: {  	[sflag:s20] =	ssyncset.done $0x0  }
0x54: {  	[sflag:s20] =	ssyncadd.s32 $0xFFFFC000  }
0x55: {  	_ =	sfence.sel $0x180000  }
0x56: {  	[bflag:$0x0] =	sbarrier.arrive $0xFFFF  }
0x57: {  	p0 =	sne.s32 s0, $0x0;
	_ =	strace $0x90000047  }
0x58: {  	s0 =	sadd.s32 @!p0 $0x100000, s1;
	[bflag:$0x2] =	sbarrier.arrive $0xFFFF  }
0x59: {  	[sflag:s0] =	ssyncadd.tile.s32 @!p0 $0x1;
	_ =	shalt  }
.Lfunc_end2:
_tile_overlayer_lowered:
.L_overlay_start_2:
0x5a: {  	(tag) =	ssettag $0x2  }
0x5b: {  	s0 =	rddreg [dreg:$0x0];
	s2 =	stileid.u32  }
0x5c: {  	s1 =	rddreg [dreg:$0x1];
	p0 =	sne.s32 s2, $0x0  }
0x5d: {  	s3 =	rddreg [dreg:$0x2];
	[bflag:$0x3] =	sbarrier.arrive $0xFFFF;
	s2 =	simm.s32 @!p0 $0x1C05  }
0x5e: {  	[timem:s3], [sflag:s2] =	dma.local @!p0 [hbm:s0], s1  }
0x5f: {  	s0 =	simm.s32 @!p0 $0x5  }
0x60: {  	_ =	swait.ge @!p0 [sflag:s0], s1  }
0x61: {  	s1 =	ssub.s32 @!p0 $0x0, s1;
	[sflag:s0] =	ssyncset.done @!p0 $0x0  }
0x62: {  	[sflag:s0] =	ssyncadd.s32 @!p0 s1  }
0x63: {  	[bflag:$0x3] =	sbarrier.arrive $0xFFFF  }
0x64: {  	_ =	shalt  }

</sc_bundles>
